<compile_context>
chip_gen: v7x
topology: tpu7x:2x2x1
jax: 0.10.2.dev20260603
libtpu: 0.0.44.dev20260713+nightly
codegen_flags: <defaults>
</compile_context>

<pallas_src>
import functools

import jax
import jax.numpy as jnp
from jax import lax
from jax.experimental import pallas as pl
from jax.experimental.pallas import tpu as pltpu
from jax.experimental.pallas import tpu_sc as plsc

_N = 2 * 4096 * 4096
_NW = 32
_PER_W = _N // _NW
_CHUNK = 16384
_NCHUNK = _PER_W // _CHUNK
_NVEC = _CHUNK // 16

_A = 1.5957691216057308
_B = 0.07135481283247087


def _sc_gelu_body(x_hbm, o_hbm, inb, outb, insem, outsem):
    c = lax.axis_index("c")
    s = lax.axis_index("s")
    wid = s * 2 + c
    base = wid * _PER_W

    def in_copy(k, slot):
        return pltpu.make_async_copy(
            x_hbm.at[pl.ds(base + k * _CHUNK, _CHUNK)], inb.at[slot], insem.at[slot]
        )

    def out_copy(k, slot):
        return pltpu.make_async_copy(
            outb.at[slot], o_hbm.at[pl.ds(base + k * _CHUNK, _CHUNK)], outsem.at[slot]
        )

    in_copy(0, 0).start()
    in_copy(1, 1).start()

    def chunk_body(k, _):
        slot = lax.rem(k, 2)
        in_copy(k, slot).wait()

        @pl.when(k >= 2)
        def _():
            out_copy(k - 2, slot).wait()

        def vec(j, _):
            sl = pl.ds(j * 16, 16)
            x = inb[slot, sl]
            u2 = jnp.minimum(_A * x + _B * (x * x * x), 30.0)
            t = jnp.exp(u2)
            outb[slot, sl] = x * t / (t + 1.0)
            return 0

        lax.fori_loop(0, _NVEC, vec, 0)
        out_copy(k, slot).start()

        @pl.when(k + 2 < _NCHUNK)
        def _():
            in_copy(k + 2, slot).start()

        return 0

    lax.fori_loop(0, _NCHUNK, chunk_body, 0)
    out_copy(_NCHUNK - 2, 0).wait()
    out_copy(_NCHUNK - 1, 1).wait()


@functools.cache
def _build_sc_gelu():
    mesh = plsc.VectorSubcoreMesh(core_axis_name="c", subcore_axis_name="s")
    return pl.kernel(
        _sc_gelu_body,
        out_type=jax.ShapeDtypeStruct((_N,), jnp.float32),
        mesh=mesh,
        scratch_types=[
            pltpu.VMEM((2, _CHUNK), jnp.float32),
            pltpu.VMEM((2, _CHUNK), jnp.float32),
            pltpu.SemaphoreType.DMA((2,)),
            pltpu.SemaphoreType.DMA((2,)),
        ],
    )


def kernel(input):
    out = _build_sc_gelu()(input.reshape(_N))
    return out.reshape(input.shape)

# --- scband reference (transcript-rebuilt; emitter-appended) ---
"""Pipeline reference for scband-efficient-memory-gelu-11622181503516 (READ-ONLY COPY).

The authoritative reference and input builder live on the scoring server;
editing this copy changes nothing except your own understanding.
"""

import jax, jax.numpy as jnp
import numpy as np

OUTLINER_RATIO = 0.01
SUB_OUTLINER_RATIO = 0.2
SUB_OUTLINER_BIT = 8
RANK = 16


def setup_inputs(seed: int = 0) -> dict:
    key = jax.random.key(seed)
    x = jax.random.normal(key, (2, 4096, 4096), dtype=jnp.float32)
    return {"input": x}


def _gelu(x):
    # torch F.gelu default (approximate='none') uses the exact erf form
    return 0.5 * x * (1.0 + jax.scipy.special.erf(x / jnp.sqrt(2.0).astype(x.dtype)))


def reference(input):
    # Module forward returns only the GELU result; the statistics/compression
    # path (iteration < 10) only affects what is saved for backward.
    result = _gelu(input)
    return result

if __name__ == "__main__":
    import jax
    _d = setup_inputs()
    print(jax.jit(kernel)(*tuple(_d.values())))

</pallas_src>

<mosaic_0001>
#map = affine_map<(d0, d1) -> (0)>
module attributes {stable_mosaic.version = 14 : i64} {
  func.func @_sc_gelu_body(%arg0: i32, %arg1: i32, %arg2: memref<33554432xf32, #tpu.memory_space<hbm>>, %arg3: memref<33554432xf32, #tpu.memory_space<hbm>>, %arg4: memref<2x16384xf32, #tpu.memory_space<vmem>>, %arg5: memref<2x16384xf32, #tpu.memory_space<vmem>>, %arg6: memref<2x!tpu.dma_semaphore, #tpu.memory_space<semaphore_mem>>, %arg7: memref<2x!tpu.dma_semaphore, #tpu.memory_space<semaphore_mem>>) attributes {dimension_semantics = [#tpu.dimension_semantics<core_parallel>, #tpu.dimension_semantics<subcore_parallel>], iteration_bounds = array<i64: 2, 16>, scalar_prefetch = 0 : i64, scratch_operands = 4 : i64, tpu.core_type = #tpu.core_type<sc_vector_subcore>, window_params = [{transform_indices = #map}, {transform_indices = #map}]} {
    %mul3A = arith.constant 2 : i32
    %mul3A_0 = arith.muli %arg1, %mul3A : i32
    %add3A = arith.addi %mul3A_0, %arg0 : i32
    %mul3A_1 = arith.constant 1048576 : i32
    %mul3A_2 = arith.muli %add3A, %mul3A_1 : i32
    %add3A_3 = arith.constant 0 : i32
    %add3A_4 = arith.addi %mul3A_2, %add3A_3 : i32
    %dma_start3A = arith.constant 0 : i32
    %dma_start3A_5 = arith.constant 0 : i32
    %dma_start3A_6 = arith.constant 0 : i32
    %dma_start3A_7 = tpu.memref_slice %arg4[%dma_start3A, %dma_start3A_6] : memref<2x16384xf32, #tpu.memory_space<vmem>> -> memref<1x16384xf32, #tpu.memory_space<vmem>>
    %dma_start3A_8 = tpu.memref_squeeze %dma_start3A_7 : memref<1x16384xf32, #tpu.memory_space<vmem>> -> memref<16384xf32, #tpu.memory_space<vmem>>
    %dma_start3A_9 = tpu.memref_slice %arg2[%add3A_4] : memref<33554432xf32, #tpu.memory_space<hbm>> -> memref<16384xf32, #tpu.memory_space<hbm>>
    %dma_start3A_10 = tpu.memref_slice %arg6[%dma_start3A_5] : memref<2x!tpu.dma_semaphore, #tpu.memory_space<semaphore_mem>> -> memref<1x!tpu.dma_semaphore, #tpu.memory_space<semaphore_mem>>
    %dma_start3A_11 = tpu.memref_squeeze %dma_start3A_10 : memref<1x!tpu.dma_semaphore, #tpu.memory_space<semaphore_mem>> -> memref<!tpu.dma_semaphore, #tpu.memory_space<semaphore_mem>>
    %dma_start3A_12 = arith.constant 0 : i32
    %dma_start3A_13 = tpu.memref_slice %arg4[%dma_start3A, %dma_start3A_12] : memref<2x16384xf32, #tpu.memory_space<vmem>> -> memref<1x16384xf32, #tpu.memory_space<vmem>>
    %dma_start3A_14 = tpu.memref_squeeze %dma_start3A_13 : memref<1x16384xf32, #tpu.memory_space<vmem>> -> memref<16384xf32, #tpu.memory_space<vmem>>
    %dma_start3A_15 = tpu.memref_slice %arg2[%add3A_4] : memref<33554432xf32, #tpu.memory_space<hbm>> -> memref<16384xf32, #tpu.memory_space<hbm>>
    tpu.enqueue_dma source(%dma_start3A_15 : memref<16384xf32, #tpu.memory_space<hbm>>) target(%dma_start3A_14 : memref<16384xf32, #tpu.memory_space<vmem>>) target_semaphore(%dma_start3A_11 : memref<!tpu.dma_semaphore, #tpu.memory_space<semaphore_mem>>)
    %add3A_16 = arith.constant 16384 : i32
    %add3A_17 = arith.addi %mul3A_2, %add3A_16 : i32
    %dma_start3A_18 = arith.constant 1 : i32
    %dma_start3A_19 = arith.constant 1 : i32
    %dma_start3A_20 = arith.constant 0 : i32
    %dma_start3A_21 = tpu.memref_slice %arg4[%dma_start3A_18, %dma_start3A_20] : memref<2x16384xf32, #tpu.memory_space<vmem>> -> memref<1x16384xf32, #tpu.memory_space<vmem>>
    %dma_start3A_22 = tpu.memref_squeeze %dma_start3A_21 : memref<1x16384xf32, #tpu.memory_space<vmem>> -> memref<16384xf32, #tpu.memory_space<vmem>>
    %dma_start3A_23 = tpu.memref_slice %arg2[%add3A_17] : memref<33554432xf32, #tpu.memory_space<hbm>> -> memref<16384xf32, #tpu.memory_space<hbm>>
    %dma_start3A_24 = tpu.memref_slice %arg6[%dma_start3A_19] : memref<2x!tpu.dma_semaphore, #tpu.memory_space<semaphore_mem>> -> memref<1x!tpu.dma_semaphore, #tpu.memory_space<semaphore_mem>>
    %dma_start3A_25 = tpu.memref_squeeze %dma_start3A_24 : memref<1x!tpu.dma_semaphore, #tpu.memory_space<semaphore_mem>> -> memref<!tpu.dma_semaphore, #tpu.memory_space<semaphore_mem>>
    %dma_start3A_26 = arith.constant 0 : i32
    %dma_start3A_27 = tpu.memref_slice %arg4[%dma_start3A_18, %dma_start3A_26] : memref<2x16384xf32, #tpu.memory_space<vmem>> -> memref<1x16384xf32, #tpu.memory_space<vmem>>
    %dma_start3A_28 = tpu.memref_squeeze %dma_start3A_27 : memref<1x16384xf32, #tpu.memory_space<vmem>> -> memref<16384xf32, #tpu.memory_space<vmem>>
    %dma_start3A_29 = tpu.memref_slice %arg2[%add3A_17] : memref<33554432xf32, #tpu.memory_space<hbm>> -> memref<16384xf32, #tpu.memory_space<hbm>>
    tpu.enqueue_dma source(%dma_start3A_29 : memref<16384xf32, #tpu.memory_space<hbm>>) target(%dma_start3A_28 : memref<16384xf32, #tpu.memory_space<vmem>>) target_semaphore(%dma_start3A_25 : memref<!tpu.dma_semaphore, #tpu.memory_space<semaphore_mem>>)
    %scan3A = arith.constant 0 : i32
    %scan3A_30 = arith.constant 0 : i32
    %scan3A_31 = arith.constant 64 : i32
    %scan3A_32 = arith.addi %scan3A_30, %scan3A_31 : i32
    %scan3A_33 = arith.constant 1 : i32
    %scan3A_34 = scf.for %scan3A_63 = %scan3A_30 to %scan3A_32 step %scan3A_33 iter_args(%scan3A_64 = %scan3A) -> (i32)  : i32 {
      %rem3A = arith.constant 2 : i32
      %rem3A_65 = arith.remsi %scan3A_63, %rem3A : i32
      %mul3A_66 = arith.constant 16384 : i32
      %mul3A_67 = arith.muli %scan3A_63, %mul3A_66 : i32
      %add3A_68 = arith.addi %mul3A_2, %mul3A_67 : i32
      %dma_wait3A_69 = arith.constant 0 : i32
      %dma_wait3A_70 = tpu.memref_slice %arg4[%rem3A_65, %dma_wait3A_69] : memref<2x16384xf32, #tpu.memory_space<vmem>> -> memref<1x16384xf32, #tpu.memory_space<vmem>>
      %dma_wait3A_71 = tpu.memref_squeeze %dma_wait3A_70 : memref<1x16384xf32, #tpu.memory_space<vmem>> -> memref<16384xf32, #tpu.memory_space<vmem>>
      %dma_wait3A_72 = tpu.memref_slice %arg2[%add3A_68] : memref<33554432xf32, #tpu.memory_space<hbm>> -> memref<16384xf32, #tpu.memory_space<hbm>>
      %dma_wait3A_73 = tpu.memref_slice %arg6[%rem3A_65] : memref<2x!tpu.dma_semaphore, #tpu.memory_space<semaphore_mem>> -> memref<1x!tpu.dma_semaphore, #tpu.memory_space<semaphore_mem>>
      %dma_wait3A_74 = tpu.memref_squeeze %dma_wait3A_73 : memref<1x!tpu.dma_semaphore, #tpu.memory_space<semaphore_mem>> -> memref<!tpu.dma_semaphore, #tpu.memory_space<semaphore_mem>>
      %dma_wait3A_75 = arith.constant 0 : i32
      %dma_wait3A_76 = tpu.memref_slice %arg4[%rem3A_65, %dma_wait3A_75] : memref<2x16384xf32, #tpu.memory_space<vmem>> -> memref<1x16384xf32, #tpu.memory_space<vmem>>
      %dma_wait3A_77 = tpu.memref_squeeze %dma_wait3A_76 : memref<1x16384xf32, #tpu.memory_space<vmem>> -> memref<16384xf32, #tpu.memory_space<vmem>>
      %dma_wait3A_78 = tpu.memref_slice %arg2[%add3A_68] : memref<33554432xf32, #tpu.memory_space<hbm>> -> memref<16384xf32, #tpu.memory_space<hbm>>
      tpu.wait_dma2 semaphore(%dma_wait3A_74 : memref<!tpu.dma_semaphore, #tpu.memory_space<semaphore_mem>>) src(%dma_wait3A_78 : memref<16384xf32, #tpu.memory_space<hbm>>) dst(%dma_wait3A_77 : memref<16384xf32, #tpu.memory_space<vmem>>)
      %ge3A = arith.constant 2 : i32
      %ge3A_79 = arith.cmpi sge, %scan3A_63, %ge3A : i32
      %convert_element_type3A = arith.extui %ge3A_79 : i1 to i32
      %cond3A = arith.constant 0 : i32
      %cond3A_80 = arith.cmpi ne, %convert_element_type3A, %cond3A : i32
      scf.if %cond3A_80 {
        %sub3A = arith.constant 2 : i32
        %sub3A_108 = arith.subi %scan3A_63, %sub3A : i32
        %mul3A_109 = arith.constant 16384 : i32
        %mul3A_110 = arith.muli %sub3A_108, %mul3A_109 : i32
        %add3A_111 = arith.addi %mul3A_2, %mul3A_110 : i32
        %dma_wait3A_112 = arith.constant 0 : i32
        %dma_wait3A_113 = tpu.memref_slice %arg5[%rem3A_65, %dma_wait3A_112] : memref<2x16384xf32, #tpu.memory_space<vmem>> -> memref<1x16384xf32, #tpu.memory_space<vmem>>
        %dma_wait3A_114 = tpu.memref_squeeze %dma_wait3A_113 : memref<1x16384xf32, #tpu.memory_space<vmem>> -> memref<16384xf32, #tpu.memory_space<vmem>>
        %dma_wait3A_115 = tpu.memref_slice %arg3[%add3A_111] : memref<33554432xf32, #tpu.memory_space<hbm>> -> memref<16384xf32, #tpu.memory_space<hbm>>
        %dma_wait3A_116 = tpu.memref_slice %arg7[%rem3A_65] : memref<2x!tpu.dma_semaphore, #tpu.memory_space<semaphore_mem>> -> memref<1x!tpu.dma_semaphore, #tpu.memory_space<semaphore_mem>>
        %dma_wait3A_117 = tpu.memref_squeeze %dma_wait3A_116 : memref<1x!tpu.dma_semaphore, #tpu.memory_space<semaphore_mem>> -> memref<!tpu.dma_semaphore, #tpu.memory_space<semaphore_mem>>
        %dma_wait3A_118 = tpu.memref_slice %arg3[%add3A_111] : memref<33554432xf32, #tpu.memory_space<hbm>> -> memref<16384xf32, #tpu.memory_space<hbm>>
        %dma_wait3A_119 = arith.constant 0 : i32
        %dma_wait3A_120 = tpu.memref_slice %arg5[%rem3A_65, %dma_wait3A_119] : memref<2x16384xf32, #tpu.memory_space<vmem>> -> memref<1x16384xf32, #tpu.memory_space<vmem>>
        %dma_wait3A_121 = tpu.memref_squeeze %dma_wait3A_120 : memref<1x16384xf32, #tpu.memory_space<vmem>> -> memref<16384xf32, #tpu.memory_space<vmem>>
        tpu.wait_dma2 semaphore(%dma_wait3A_117 : memref<!tpu.dma_semaphore, #tpu.memory_space<semaphore_mem>>) src(%dma_wait3A_121 : memref<16384xf32, #tpu.memory_space<vmem>>) dst(%dma_wait3A_118 : memref<16384xf32, #tpu.memory_space<hbm>>)
      } else {
      }
      %scan3A_81 = arith.constant 0 : i32
      %scan3A_82 = arith.constant 0 : i32
      %scan3A_83 = arith.constant 1024 : i32
      %scan3A_84 = arith.addi %scan3A_82, %scan3A_83 : i32
      %scan3A_85 = arith.constant 1 : i32
      %scan3A_86 = scf.for %scan3A_108 = %scan3A_82 to %scan3A_84 step %scan3A_85 iter_args(%scan3A_109 = %scan3A_81) -> (i32)  : i32 {
        %mul3A_110 = arith.constant 16 : i32
        %mul3A_111 = arith.muli %scan3A_108, %mul3A_110 : i32
        %get3A = arith.index_cast %rem3A_65 : i32 to index
        %get3A_112 = arith.index_cast %mul3A_111 : i32 to index
        %get3A_113 = tpu.vector_load %arg4[%get3A, %get3A_112] {strides = array<i32>} : memref<2x16384xf32, #tpu.memory_space<vmem>>, vector<1x16xf32>,
        %get3A_114 = vector.shape_cast %get3A_113 : vector<1x16xf32> to vector<16xf32>
        %mul3A_115 = arith.constant 1.59576917 : f32
        %mul3A_116 = vector.broadcast %mul3A_115 : f32 to vector<16xf32>
        %mul3A_117 = arith.mulf %mul3A_116, %get3A_114 : vector<16xf32>
        %mul3A_118 = arith.mulf %get3A_114, %get3A_114 : vector<16xf32>
        %mul3A_119 = arith.mulf %mul3A_118, %get3A_114 : vector<16xf32>
        %mul3A_120 = arith.constant 0.0713548139 : f32
        %mul3A_121 = vector.broadcast %mul3A_120 : f32 to vector<16xf32>
        %mul3A_122 = arith.mulf %mul3A_121, %mul3A_119 : vector<16xf32>
        %add3A_123 = arith.addf %mul3A_117, %mul3A_122 : vector<16xf32>
        %min3A = arith.constant 3.000000e+01 : f32
        %min3A_124 = vector.broadcast %min3A : f32 to vector<16xf32>
        %min3A_125 = arith.minimumf %add3A_123, %min3A_124 : vector<16xf32>
        %exp3A = math.exp %min3A_125 : vector<16xf32>
        %mul3A_126 = arith.mulf %get3A_114, %exp3A : vector<16xf32>
        %add3A_127 = arith.constant 1.000000e+00 : f32
        %add3A_128 = vector.broadcast %add3A_127 : f32 to vector<16xf32>
        %add3A_129 = arith.addf %exp3A, %add3A_128 : vector<16xf32>
        %div3A = arith.divf %mul3A_126, %add3A_129 : vector<16xf32>
        %swap3A = arith.index_cast %rem3A_65 : i32 to index
        %swap3A_130 = arith.index_cast %mul3A_111 : i32 to index
        %swap3A_131 = tpu.vector_load %arg5[%swap3A, %swap3A_130] {strides = array<i32>} : memref<2x16384xf32, #tpu.memory_space<vmem>>, vector<1x16xf32>,
        %swap3A_132 = vector.shape_cast %swap3A_131 : vector<1x16xf32> to vector<16xf32>
        %swap3A_133 = vector.shape_cast %div3A : vector<16xf32> to vector<1x16xf32>
        tpu.vector_store %arg5[%swap3A, %swap3A_130], %swap3A_133 {strides = array<i32>} : memref<2x16384xf32, #tpu.memory_space<vmem>>, vector<1x16xf32>,
        %scan3A_134 = arith.constant 0 : i32
        scf.yield %scan3A_134 : i32
      }
      %scan3A_87 = arith.constant 1024 : i32
      %mul3A_88 = arith.constant 16384 : i32
      %mul3A_89 = arith.muli %scan3A_63, %mul3A_88 : i32
      %add3A_90 = arith.addi %mul3A_2, %mul3A_89 : i32
      %dma_start3A_91 = arith.constant 0 : i32
      %dma_start3A_92 = tpu.memref_slice %arg5[%rem3A_65, %dma_start3A_91] : memref<2x16384xf32, #tpu.memory_space<vmem>> -> memref<1x16384xf32, #tpu.memory_space<vmem>>
      %dma_start3A_93 = tpu.memref_squeeze %dma_start3A_92 : memref<1x16384xf32, #tpu.memory_space<vmem>> -> memref<16384xf32, #tpu.memory_space<vmem>>
      %dma_start3A_94 = tpu.memref_slice %arg3[%add3A_90] : memref<33554432xf32, #tpu.memory_space<hbm>> -> memref<16384xf32, #tpu.memory_space<hbm>>
      %dma_start3A_95 = tpu.memref_slice %arg7[%rem3A_65] : memref<2x!tpu.dma_semaphore, #tpu.memory_space<semaphore_mem>> -> memref<1x!tpu.dma_semaphore, #tpu.memory_space<semaphore_mem>>
      %dma_start3A_96 = tpu.memref_squeeze %dma_start3A_95 : memref<1x!tpu.dma_semaphore, #tpu.memory_space<semaphore_mem>> -> memref<!tpu.dma_semaphore, #tpu.memory_space<semaphore_mem>>
      %dma_start3A_97 = tpu.memref_slice %arg3[%add3A_90] : memref<33554432xf32, #tpu.memory_space<hbm>> -> memref<16384xf32, #tpu.memory_space<hbm>>
      %dma_start3A_98 = arith.constant 0 : i32
      %dma_start3A_99 = tpu.memref_slice %arg5[%rem3A_65, %dma_start3A_98] : memref<2x16384xf32, #tpu.memory_space<vmem>> -> memref<1x16384xf32, #tpu.memory_space<vmem>>
      %dma_start3A_100 = tpu.memref_squeeze %dma_start3A_99 : memref<1x16384xf32, #tpu.memory_space<vmem>> -> memref<16384xf32, #tpu.memory_space<vmem>>
      tpu.enqueue_dma source(%dma_start3A_100 : memref<16384xf32, #tpu.memory_space<vmem>>) target(%dma_start3A_97 : memref<16384xf32, #tpu.memory_space<hbm>>) target_semaphore(%dma_start3A_96 : memref<!tpu.dma_semaphore, #tpu.memory_space<semaphore_mem>>)
      %add3A_101 = arith.constant 2 : i32
      %add3A_102 = arith.addi %scan3A_63, %add3A_101 : i32
      %lt3A = arith.constant 64 : i32
      %lt3A_103 = arith.cmpi slt, %add3A_102, %lt3A : i32
      %convert_element_type3A_104 = arith.extui %lt3A_103 : i1 to i32
      %cond3A_105 = arith.constant 0 : i32
      %cond3A_106 = arith.cmpi ne, %convert_element_type3A_104, %cond3A_105 : i32
      scf.if %cond3A_106 {
        %add3A_108 = arith.constant 2 : i32
        %add3A_109 = arith.addi %scan3A_63, %add3A_108 : i32
        %mul3A_110 = arith.constant 16384 : i32
        %mul3A_111 = arith.muli %add3A_109, %mul3A_110 : i32
        %add3A_112 = arith.addi %mul3A_2, %mul3A_111 : i32
        %dma_start3A_113 = arith.constant 0 : i32
        %dma_start3A_114 = tpu.memref_slice %arg4[%rem3A_65, %dma_start3A_113] : memref<2x16384xf32, #tpu.memory_space<vmem>> -> memref<1x16384xf32, #tpu.memory_space<vmem>>
        %dma_start3A_115 = tpu.memref_squeeze %dma_start3A_114 : memref<1x16384xf32, #tpu.memory_space<vmem>> -> memref<16384xf32, #tpu.memory_space<vmem>>
        %dma_start3A_116 = tpu.memref_slice %arg2[%add3A_112] : memref<33554432xf32, #tpu.memory_space<hbm>> -> memref<16384xf32, #tpu.memory_space<hbm>>
        %dma_start3A_117 = tpu.memref_slice %arg6[%rem3A_65] : memref<2x!tpu.dma_semaphore, #tpu.memory_space<semaphore_mem>> -> memref<1x!tpu.dma_semaphore, #tpu.memory_space<semaphore_mem>>
        %dma_start3A_118 = tpu.memref_squeeze %dma_start3A_117 : memref<1x!tpu.dma_semaphore, #tpu.memory_space<semaphore_mem>> -> memref<!tpu.dma_semaphore, #tpu.memory_space<semaphore_mem>>
        %dma_start3A_119 = arith.constant 0 : i32
        %dma_start3A_120 = tpu.memref_slice %arg4[%rem3A_65, %dma_start3A_119] : memref<2x16384xf32, #tpu.memory_space<vmem>> -> memref<1x16384xf32, #tpu.memory_space<vmem>>
        %dma_start3A_121 = tpu.memref_squeeze %dma_start3A_120 : memref<1x16384xf32, #tpu.memory_space<vmem>> -> memref<16384xf32, #tpu.memory_space<vmem>>
        %dma_start3A_122 = tpu.memref_slice %arg2[%add3A_112] : memref<33554432xf32, #tpu.memory_space<hbm>> -> memref<16384xf32, #tpu.memory_space<hbm>>
        tpu.enqueue_dma source(%dma_start3A_122 : memref<16384xf32, #tpu.memory_space<hbm>>) target(%dma_start3A_121 : memref<16384xf32, #tpu.memory_space<vmem>>) target_semaphore(%dma_start3A_118 : memref<!tpu.dma_semaphore, #tpu.memory_space<semaphore_mem>>)
      } else {
      }
      %scan3A_107 = arith.constant 0 : i32
      scf.yield %scan3A_107 : i32
    }
    %scan3A_35 = arith.constant 64 : i32
    %add3A_36 = arith.constant 1015808 : i32
    %add3A_37 = arith.addi %mul3A_2, %add3A_36 : i32
    %dma_wait3A = arith.constant 0 : i32
    %dma_wait3A_38 = arith.constant 0 : i32
    %dma_wait3A_39 = arith.constant 0 : i32
    %dma_wait3A_40 = tpu.memref_slice %arg5[%dma_wait3A, %dma_wait3A_39] : memref<2x16384xf32, #tpu.memory_space<vmem>> -> memref<1x16384xf32, #tpu.memory_space<vmem>>
    %dma_wait3A_41 = tpu.memref_squeeze %dma_wait3A_40 : memref<1x16384xf32, #tpu.memory_space<vmem>> -> memref<16384xf32, #tpu.memory_space<vmem>>
    %dma_wait3A_42 = tpu.memref_slice %arg3[%add3A_37] : memref<33554432xf32, #tpu.memory_space<hbm>> -> memref<16384xf32, #tpu.memory_space<hbm>>
    %dma_wait3A_43 = tpu.memref_slice %arg7[%dma_wait3A_38] : memref<2x!tpu.dma_semaphore, #tpu.memory_space<semaphore_mem>> -> memref<1x!tpu.dma_semaphore, #tpu.memory_space<semaphore_mem>>
    %dma_wait3A_44 = tpu.memref_squeeze %dma_wait3A_43 : memref<1x!tpu.dma_semaphore, #tpu.memory_space<semaphore_mem>> -> memref<!tpu.dma_semaphore, #tpu.memory_space<semaphore_mem>>
    %dma_wait3A_45 = tpu.memref_slice %arg3[%add3A_37] : memref<33554432xf32, #tpu.memory_space<hbm>> -> memref<16384xf32, #tpu.memory_space<hbm>>
    %dma_wait3A_46 = arith.constant 0 : i32
    %dma_wait3A_47 = tpu.memref_slice %arg5[%dma_wait3A, %dma_wait3A_46] : memref<2x16384xf32, #tpu.memory_space<vmem>> -> memref<1x16384xf32, #tpu.memory_space<vmem>>
    %dma_wait3A_48 = tpu.memref_squeeze %dma_wait3A_47 : memref<1x16384xf32, #tpu.memory_space<vmem>> -> memref<16384xf32, #tpu.memory_space<vmem>>
    tpu.wait_dma2 semaphore(%dma_wait3A_44 : memref<!tpu.dma_semaphore, #tpu.memory_space<semaphore_mem>>) src(%dma_wait3A_48 : memref<16384xf32, #tpu.memory_space<vmem>>) dst(%dma_wait3A_45 : memref<16384xf32, #tpu.memory_space<hbm>>)
    %add3A_49 = arith.constant 1032192 : i32
    %add3A_50 = arith.addi %mul3A_2, %add3A_49 : i32
    %dma_wait3A_51 = arith.constant 1 : i32
    %dma_wait3A_52 = arith.constant 1 : i32
    %dma_wait3A_53 = arith.constant 0 : i32
    %dma_wait3A_54 = tpu.memref_slice %arg5[%dma_wait3A_51, %dma_wait3A_53] : memref<2x16384xf32, #tpu.memory_space<vmem>> -> memref<1x16384xf32, #tpu.memory_space<vmem>>
    %dma_wait3A_55 = tpu.memref_squeeze %dma_wait3A_54 : memref<1x16384xf32, #tpu.memory_space<vmem>> -> memref<16384xf32, #tpu.memory_space<vmem>>
    %dma_wait3A_56 = tpu.memref_slice %arg3[%add3A_50] : memref<33554432xf32, #tpu.memory_space<hbm>> -> memref<16384xf32, #tpu.memory_space<hbm>>
    %dma_wait3A_57 = tpu.memref_slice %arg7[%dma_wait3A_52] : memref<2x!tpu.dma_semaphore, #tpu.memory_space<semaphore_mem>> -> memref<1x!tpu.dma_semaphore, #tpu.memory_space<semaphore_mem>>
    %dma_wait3A_58 = tpu.memref_squeeze %dma_wait3A_57 : memref<1x!tpu.dma_semaphore, #tpu.memory_space<semaphore_mem>> -> memref<!tpu.dma_semaphore, #tpu.memory_space<semaphore_mem>>
    %dma_wait3A_59 = tpu.memref_slice %arg3[%add3A_50] : memref<33554432xf32, #tpu.memory_space<hbm>> -> memref<16384xf32, #tpu.memory_space<hbm>>
    %dma_wait3A_60 = arith.constant 0 : i32
    %dma_wait3A_61 = tpu.memref_slice %arg5[%dma_wait3A_51, %dma_wait3A_60] : memref<2x16384xf32, #tpu.memory_space<vmem>> -> memref<1x16384xf32, #tpu.memory_space<vmem>>
    %dma_wait3A_62 = tpu.memref_squeeze %dma_wait3A_61 : memref<1x16384xf32, #tpu.memory_space<vmem>> -> memref<16384xf32, #tpu.memory_space<vmem>>
    tpu.wait_dma2 semaphore(%dma_wait3A_58 : memref<!tpu.dma_semaphore, #tpu.memory_space<semaphore_mem>>) src(%dma_wait3A_62 : memref<16384xf32, #tpu.memory_space<vmem>>) dst(%dma_wait3A_59 : memref<16384xf32, #tpu.memory_space<hbm>>)
    return
  }
}

</mosaic_0001>

<sc_bundles>
// kernel: kernel.3.cloned.1.call-start
scs
__scs_entry_jumppad:
0x0: {  	(pc) =	sbr.rel $0x88, $3  }
0x1: {  	(tag) =	ssettag $0x0;
	lr =	simm.s32 $0x1  }
0x2: {  	[smem:$0x3FA0] =	sst lr;
	_ =	strace $0xD0000000  }
0x3: {  	_ = 	snop  }
0x4: {  	_ = 	snop  }
0x5: {  	_ = 	snop  }
0x6: {  	_ = 	snop  }
0x7: {  	_ = 	snop  }
__scs_overlays_trampoline_lowered:
0x8: {  	[smem:$0x3FAF] =	sst s0  }
0x9: {  	[smem:$0x3FB0] =	sst s1  }
0xa: {  	[smem:$0x3FB1] =	sst s2  }
0xb: {  	[smem:$0x3FB2] =	sst s3  }
0xc: {  	[smem:$0x3FB3] =	sst s4  }
0xd: {  	[smem:$0x3FB4] =	sst s5  }
0xe: {  	[smem:$0x3FB5] =	sst s6  }
0xf: {  	[smem:$0x3FB6] =	sst s7  }
0x10: {  	[smem:$0x3FB7] =	sst s8  }
0x11: {  	[smem:$0x3FB8] =	sst s9;
	s0 =	simm.s32 @!p0 $0x0  }
0x12: {  	s1 =	sld [smem:$0x3F9E];
	s0 =	simm.s32 @p0 $0x1  }
0x13: {  	[smem:$0x3FB9] =	sst s0;
	s0 =	simm.s32 @!p1 $0x0  }
0x14: {  	s2 =	sld [smem:$0x3F9D];
	s0 =	simm.s32 @p1 $0x1  }
0x15: {  	[smem:$0x3FBA] =	sst s0;
	s0 =	simm.s32 @!p2 $0x0  }
0x16: {  	s3 =	sld [smem:$0x3FDB];
	s0 =	simm.s32 @p2 $0x1  }
0x17: {  	s4 =	simm.s32 $0x1BF5;
	[smem:$0x3FBC] =	sst s0  }
0x18: {  	s0 =	sld [smem:$0x3F9F];
	_ =	swait.ge [sflag:s4], $0x0  }
0x19: {  	s7 =	sld [smem:$0x3FA0]  }
0x1a: {  	s8 =	sadd.s32 $0xFFFFE003, lr  }
0x1b: {  	s9 =	sadd.s32 $0xFFFFFEF7, lr;
	s5 =	simm.s32 $0xFFFFFFFF;
	p2 =	slt.u32 s8, $0xFFFFF086  }
0x1c: {  	p1 =	slt.u32 s9, $0xF7A;
	s5 =	simm.s32 @!p2 $0x0  }
0x1d: {  	s5 =	simm.s32 @p1 $0x1;
	p0 =	seq.s32 s7, s2  }
0x1e: {  	s7 =	smul.u32 @!p0 $0xF7A, s2;
	p2 =	seq.s32 @!p0 s5, $0x0  }
0x1f: {  	s9 =	smul.u32 $0xF7A, s1;
	s8 =	simm.s32 @!p0 $0x1BF5;
	p2 =	por !p2, p0  }
0x20: {  	[sflag:s8] =	ssyncset.s32 @!p0 $0xFFFFF086;
	s6 =	sadd.s32 @!p0 s3, s7;
	s7 =	simm.s32 @!p0 $0x108  }
0x21: {  	s3 =	sadd.s32 s3, s9;
	s6 =	sadd.s32 @!p0 $0x88, s6;
	s7 =	simm.s32 @p2 $0x1082  }
0x22: {  	[simem:s7], [sflag:s8] =	dma.local @!p0 [hbm:s6], $0xF7A  }
0x23: {  	s9 =	sor.u32 $0xD0000000, s2;
	s6 =	simm.s32 $0x108;
	_ =	swait.ge @!p0 [sflag:s8], $0x0  }
0x24: {  	s3 =	sadd.s32 $0x88, s3;
	s6 =	simm.s32 @!p1 $0x1082;
	[sflag:s4] =	ssyncset.s32 $0xFFFFF086  }
0x25: {  	[simem:s6], [sflag:s4] =	dma.local [hbm:s3], $0xF7A  }
0x26: {  	[smem:$0x3FA0] =	sst s1;
	(tag) =	ssettag s2;
	_ =	strace s9  }
0x27: {  	s1 =	sld [smem:$0x3FB0]  }
0x28: {  	s2 =	sld [smem:$0x3FB1]  }
0x29: {  	s4 =	sld [smem:$0x3FB3]  }
0x2a: {  	p0 =	seq.s32 s5, $0x0;
	s5 =	sld [smem:$0x3FB4]  }
0x2b: {  	s6 =	sld [smem:$0x3FB5]  }
0x2c: {  	s7 =	sld [smem:$0x3FB6]  }
0x2d: {  	s3 =	simm.s32 $0x108;
	s8 =	sld [smem:$0x3FB7]  }
0x2e: {  	s3 =	simm.s32 @!p0 $0x1082;
	s9 =	sld [smem:$0x3FB8]  }
0x2f: {  	lr =	sadd.s32 s0, s3;
	s0 =	sld [smem:$0x3FAF]  }
0x30: {  	s3 =	sld [smem:$0x3FB2]  }
0x31: {  	[smem:$0x3FBB] =	sst s10  }
0x32: {  	s10 =	sld [smem:$0x3FB9];
	_ =	sdelay $0x3  }
0x33: {  	p0 =	seq.s32 s10, $0x1;
	s10 =	sld [smem:$0x3FBB];
	_ =	sdelay $0x3  }
0x34: {  	[smem:$0x3FBB] =	sst s10  }
0x35: {  	s10 =	sld [smem:$0x3FBA];
	_ =	sdelay $0x3  }
0x36: {  	p1 =	seq.s32 s10, $0x1;
	s10 =	sld [smem:$0x3FBB];
	_ =	sdelay $0x3  }
0x37: {  	[smem:$0x3FBB] =	sst s10  }
0x38: {  	s10 =	sld [smem:$0x3FBC]  }
0x39: {  	_ = 	snop;
	(pc) =	sbr.ind lr, $3  }
0x3a: {  	_ = 	snop  }
0x3b: {  	_ = 	snop  }
0x3c: {  	p2 =	seq.s32 s10, $0x1;
	s10 =	sld [smem:$0x3FBB]  }
0x3d: {  	_ =	shalt  }
0x3e: {  	_ =	shalt  }
0x3f: {  	_ =	shalt  }
0x40: {  	_ =	shalt  }
0x41: {  	_ =	shalt  }
0x42: {  	_ =	shalt  }
0x43: {  	_ =	shalt  }
0x44: {  	_ =	shalt  }
0x45: {  	_ =	shalt  }
0x46: {  	_ =	shalt  }
0x47: {  	_ =	shalt  }
0x48: {  	_ =	shalt  }
0x49: {  	_ =	shalt  }
0x4a: {  	_ =	shalt  }
0x4b: {  	_ =	shalt  }
0x4c: {  	_ =	shalt  }
0x4d: {  	_ =	shalt  }
0x4e: {  	_ =	shalt  }
0x4f: {  	_ =	shalt  }
0x50: {  	_ =	shalt  }
0x51: {  	_ =	shalt  }
0x52: {  	_ =	shalt  }
0x53: {  	_ =	shalt  }
0x54: {  	_ =	shalt  }
0x55: {  	_ =	shalt  }
0x56: {  	_ =	shalt  }
0x57: {  	_ =	shalt  }
0x58: {  	_ =	shalt  }
0x59: {  	_ =	shalt  }
0x5a: {  	_ =	shalt  }
0x5b: {  	_ =	shalt  }
0x5c: {  	_ =	shalt  }
0x5d: {  	_ =	shalt  }
0x5e: {  	_ =	shalt  }
0x5f: {  	_ =	shalt  }
0x60: {  	_ =	shalt  }
0x61: {  	_ =	shalt  }
0x62: {  	_ =	shalt  }
0x63: {  	_ =	shalt  }
0x64: {  	_ =	shalt  }
0x65: {  	_ =	shalt  }
0x66: {  	_ =	shalt  }
0x67: {  	_ =	shalt  }
0x68: {  	_ =	shalt  }
0x69: {  	_ =	shalt  }
0x6a: {  	_ =	shalt  }
0x6b: {  	_ =	shalt  }
0x6c: {  	_ =	shalt  }
0x6d: {  	_ =	shalt  }
0x6e: {  	_ =	shalt  }
0x6f: {  	_ =	shalt  }
0x70: {  	_ =	shalt  }
0x71: {  	_ =	shalt  }
0x72: {  	_ =	shalt  }
0x73: {  	_ =	shalt  }
0x74: {  	_ =	shalt  }
0x75: {  	_ =	shalt  }
0x76: {  	_ =	shalt  }
0x77: {  	_ =	shalt  }
0x78: {  	_ =	shalt  }
0x79: {  	_ =	shalt  }
0x7a: {  	_ =	shalt  }
0x7b: {  	_ =	shalt  }
0x7c: {  	_ =	shalt  }
0x7d: {  	_ =	shalt  }
0x7e: {  	_ =	shalt  }
0x7f: {  	_ =	shalt  }
0x80: {  	_ =	shalt  }
0x81: {  	_ =	shalt  }
0x82: {  	_ =	shalt  }
0x83: {  	_ =	shalt  }
0x84: {  	_ =	shalt  }
0x85: {  	_ =	shalt  }
0x86: {  	_ =	shalt  }
0x87: {  	_ =	shalt  }
.Lfunc_end0:
.L_simem_size_0:
called_computation.1_lowered:
.L_overlay_start_0:
0x88: {  	s2 =	sld [smem:$0x3FD9]  }
0x89: {  	s3 =	sld [smem:$0x3FFE];
	_ =	sdelay $0x1  }
0x8a: {  	s1 =	srdreg.scid  }
0x8b: {  	s0 =	sand.u32 $0x1, s1  }
0x8c: {  	s17 =	sshll.u32 s0, $0xA;
	s2 =	sadd.s32 s3, s2  }
0x8d: {  	s2 =	sadd.s32 s2, s17  }
0x8e: {  	[smem:$0x3FC7] =	sst s2  }
0x8f: {  	_ = 	snop  }
0x90: {  	s2 =	sld [smem:$0x3FD0];
	(tm) =	ssettm $0x1  }
0x91: {  	s18 =	sld [smem:$0x3FFB];
	_ =	sdelay $0x3  }
0x92: {  	_ =	strace s18  }
0x93: {  	s3 =	sld [smem:$0x3FFC];
	_ =	sdelay $0x3  }
0x94: {  	_ =	strace s3  }
0x95: {  	s3 =	sld [smem:$0x3FFD];
	_ =	sdelay $0x3  }
0x96: {  	_ =	strace s3  }
0x97: {  	_ =	strace $0x8FFFFFFF  }
0x98: {  	s19 =	sld [smem:$0x3FDB];
	_ =	sdelay $0x1  }
0x99: {  	s4 =	simm.s32 $_scs_section_size  }
0x9a: {  	s5 =	simm.s32 $_size__tile_overlayer_lowered;
	s6 =	simm.s32 $_tile_overlayer_lowered  }
0x9b: {  	s22 =	simm.s32 $0x1BFF;
	s21 =	sshll.u32 s6, $0x1;
	s3 =	sadd.s32 s4, s19  }
0x9c: {  	s7 =	simm.s32 $0x0;
	s20 =	sshll.u32 s5, $0x1;
	s5 =	sadd.s32 s21, s3  }
0x9d: {  	[timem:s7], [sflag:s22] =	dma.local [hbm:s5], s20  }
0x9e: {  	_ =	swait.ge [sflag:s22], s20  }
0x9f: {  	s4 =	ssub.s32 $0x0, s20;
	[sflag:s22] =	ssyncset.done $0x0  }
0xa0: {  	[sflag:s22] =	ssyncadd.s32 s4;
	_ =	sdelay $0x1  }
0xa1: {  	s23 =	simm.s32 $0x1B8B  }
0xa2: {  	_ =	swait.ge [sflag:s23], $0x1  }
0xa3: {  	[sflag:s23] =	ssyncset.done $0x0  }
0xa4: {  	s25 =	simm.s32 $0x1B8E;
	s24 =	sld [smem:$0x3FFE];
	[sflag:s23] =	ssyncadd.s32 $0xFFFFFFFF  }
0xa5: {  	s26 =	simm.s32 $execute0_lowered;
	[smem:$0x3FD2] =	sst s25  }
0xa6: {  	s5 =	sshll.u32 s26, $0x1;
	_ =	strace $0x80000049;
	[dreg:$0x1] =	wrdreg $0xFFFFFFFF  }
0xa7: {  	s28 =	simm.s32 $_size_execute0_lowered;
	s3 =	sadd.s32 s3, s5;
	[dreg:$0x0] =	wrdreg $0x0  }
0xa8: {  	s5 =	sshll.u32 s28, $0x1;
	[dreg:$0x2] =	wrdreg s3  }
0xa9: {  	[dreg:$0x3] =	wrdreg s5  }
0xaa: {  	[dreg:$0x4] =	wrdreg $0xC0  }
0xab: {  	_ =	task [dreg:s7], $0x5FFFF  }
0xac: {  	[dreg:$0x1] =	wrdreg $0xFFFFFFFF  }
0xad: {  	[dreg:$0x0] =	wrdreg $0x60  }
0xae: {  	[dreg:$0x2] =	wrdreg s2  }
0xaf: {  	[dreg:$0x3] =	wrdreg s24  }
0xb0: {  	[dreg:$0x4] =	wrdreg $0x9  }
0xb1: {  	_ =	task.clear_ibuf [dreg:s7], $0x5FFFF;
	_ =	strace $0x90000049  }
0xb2: {  	s29 =	simm.s32 $0x9;
	_ =	strace $0x8000004B  }
0xb3: {  	_ =	swait.ge [sflag:s29], $0x1  }
0xb4: {  	[sflag:s29] =	ssyncadd.s32 $0xFFFFFFFF  }
0xb5: {  	_ =	strace $0x9000004B  }
0xb6: {  	_ =	sfence  }
0xb7: {  	s30 =	sld [smem:$0x0];
	_ =	sdelay $0x2  }
0xb8: {  	s31 =	sshll.u32 s1, $0xD;
	s1 =	sshrl.u32 s1, $0x2  }
0xb9: {  	s3 =	sand.u32 $0x4000, s31;
	s1 =	sadd.s32 s1, s30  }
0xba: {  	s0 =	sor.u32 s3, s0;
	s1 =	sshll.u32 s1, $0x11  }
0xbb: {  	s0 =	sor.u32 s1, s0  }
0xbc: {  	s0 =	sadd.s32 $0x8F2B, s0  }
0xbd: {  	[sflag:s0] =	ssyncadd.remote.s32 $0x1  }
0xbe: {  	_ =	sfence.sel $0xFFFF  }
0xbf: {  	[dreg:$0x0] =	wrdreg $0xFFFFFFFF;
	(pc) =	sbr.abs _section_cstart, $3  }
0xc0: {  	[dreg:$0x1] =	wrdreg $0xFFFFFFFF  }
0xc1: {  	_ =	task.clear_ibuf [dreg:s7], $0x2FFFF;
	_ =	strace $0x9FFFFFFF  }
0xc2: {  	(tm) =	ssettm $0x7FFFFFFF  }
0xc3: {  	_ =	shalt  }
tec
execute0_lowered:
.L_overlay_start_1:
0x0: {  	(tag) =	ssettag $0x1  }
0x1: {  	s2 =	rddreg [dreg:$0x0]  }
0x2: {  	s5 =	rddreg [dreg:$0x1];
	s3 =	srdreg.scid  }
0x3: {  	s1 =	stileid.u32;
	s10 =	simm.s32 $0x3;
	s11 =	simm.s32 $0x4  }
0x4: {  	s12 =	simm.s32 $0x0;
	s4 =	sand.u32 $0x1, s3;
	s3 =	simm.s32 $0x0  }
.Ltmp0:
0x5: {  	s6 =	sshll.u32 s1, $0x15;
	s7 =	sshll.u32 s4, $0x14;
	(pc) =	sbr.rel .LBB2_1-.Ltmp0, $4  }
0x6: {  	s5 =	sadd.s32 $0x800, s5;
	s8 =	ssub.s32 $0x2, s4;
	s4 =	sor.u32 s7, s6  }
0x7: {  	[smem:$0x7FF] =	sst s3;
	s31 =	sshrl.u32 s8, $0x1;
	s7 =	sshrl.u32 s4, $0x3  }
0x8: {  	_ =	strace $0x8000004A;
	s9 =	ssub.s32 s8, s31;
	s6 =	sadd.s32 s2, s7  }
0x9: {  	s8 =	sor.u32 $0x8000, s4;
	s9 =	smax.u32 s9, $0x1;
	s7 =	sadd.s32 $0x800, s6  }
.LBB2_15:
0xa: {  	s12 =	sadd.s32 $0x1, s12  }
0xb: {  	_ =	swait.ge [sflag:s10], $0x4000;
	p0 =	sne.s32 s12, s9  }
.Ltmp1:
0xc: {  	[sflag:s10] =	ssyncset.done $0x0;
	(pc) =	sbr.rel @!p0 .LBB2_16-.Ltmp1, $4  }
0xd: {  	[sflag:s10] =	ssyncadd.s32 $0xFFFFC000  }
0xe: {  	_ =	swait.ge [sflag:s11], $0x4000  }
0xf: {  	[sflag:s11] =	ssyncset.done $0x0  }
0x10: {  	[sflag:s11] =	ssyncadd.s32 $0xFFFFC000  }
.LBB2_1:
0x11: {  	s13 =	simm.s32 $0x10  }
0x12: {  	s16 =	sadd.s32 $0x0, s6;
	s14 =	simm.s32 $0x100;
	s15 =	simm.s32 $0x0  }
.LBB2_2:
0x13: {  	[tilespmem:s15], [sflag:$0x1] =	stream.linear.gather [hbm4b:s16+s3], $0x80, $0x38;
	[tilespmem:$0x10000] =	vst v63  }
0x14: {  	s16 =	smov.u32 s13;
	s15 =	smov.u32 s14;
	p0 =	sne.s32 s13, $0x7F0  }
.Ltmp2:
0x15: {  	s13 =	sadd.s32 $0x10, s13;
	(pc) =	sbr.rel @p0 .LBB2_2-.Ltmp2, $2  }
0x16: {  	_ =	sdelay $0x2  }
0x17: {  	s14 =	sadd.s32 $0x100, s14;
	s16 =	sadd.s32 s16, s6  }
0x18: {  	[tilespmem:s15], [sflag:$0x1] =	stream.linear.gather [hbm4b:s16+s3], $0x80, $0x38;
	[tilespmem:$0x10000] =	vst v63  }
0x19: {  	s13 =	simm.s32 $0x0;
	s14 =	simm.s32 $0x80;
	s15 =	simm.s32 $0x0  }
.LBB2_4:
0x1a: {  	p0 =	sne.s32 s15, $0x7F0  }
.Ltmp3:
0x1b: {  	_ = 	snop;
	(pc) =	sbr.rel @p0 .LBB2_4-.Ltmp3, $4  }
0x1c: {  	_ = 	snop  }
0x1d: {  	s16 =	sadd.s32 s15, s7  }
0x1e: {  	[tilespmem:s14], [sflag:$0x2] =	stream.linear.gather [hbm4b:s16+s13], $0x80, $0x38;
	[tilespmem:$0x10000] =	vst v63  }
0x1f: {  	s15 =	sadd.s32 $0x10, s15;
	s14 =	sadd.s32 $0x100, s14  }
.Ltmp4:
0x20: {  	(pc) =	sbr.rel .LBB2_6-.Ltmp4, $2  }
0x21: {  	_ =	sdelay $0x2  }
0x22: {  	p0 =	por $0x0, $0x0  }
.LBB2_14:
0x23: {  	s13 =	sadd.s32 $0x1, s13  }
0x24: {  	p1 =	sne.s32 s13, $0x40  }
.Ltmp5:
0x25: {  	_ = 	snop;
	(pc) =	sbr.rel @!p1 .LBB2_15-.Ltmp5, $2  }
0x26: {  	_ =	sdelay $0x2  }
0x27: {  	p0 =	por !p0, !p0  }
.LBB2_6:
0x28: {  	s15 =	sand.u32 $0x1, s13  }
0x29: {  	s14 =	sadd.s32 $0x1, s15  }
0x2a: {  	_ =	swait.ge [sflag:s14], $0x4000  }
0x2b: {  	s16 =	sshll.u32 s13, $0x7;
	p1 =	slt.u32 s13, $0x2;
	[sflag:s14] =	ssyncset.done $0x0  }
0x2c: {  	s18 =	simm.s32 $0x0;
	s17 =	sadd.s32 @!p1 $0x3, s15;
	[sflag:s14] =	ssyncadd.s32 $0xFFFFC000  }
0x2d: {  	s19 =	sand.u32 $0x70, s18;
	s18 =	sand.u32 $0x7F00, s18;
	_ =	swait.ge @!p1 [sflag:s17], $0x4000  }
0x2e: {  	s21 =	sand.u32 $0x80, s16;
	s18 =	sor.u32 s18, s19;
	[sflag:s17] =	ssyncset.done @!p1 $0x0  }
0x2f: {  	s16 =	sor.u32 s21, s18;
	[sflag:s17] =	ssyncadd.s32 @!p1 $0xFFFFC000  }
0x30: {  	s20 =	simm.s32 $0x20;
	s19 =	simm.s32 $0x10;
	v6 =	vld [tilespmem:s16+$0x0]  }
0x31: {  	s18 =	sand.u32 $0x7F00, s20;
	s17 =	sand.u32 $0x70, s19  }
0x32: {  	s17 =	sor.u32 s18, s17  }
0x33: {  	s17 =	sor.u32 s21, s17  }
0x34: {  	v0 =	vld [tilespmem:s17+$0x0]  }
0x35: {  	v1 =	vmul.f32 v6, v6;
	_ =	sdelay $0x1  }
0x36: {  	s22 =	simm.s32 $0x20;
	s23 =	simm.s32 $0x40;
	v1 =	vmul.f32 v1, v6  }
0x37: {  	s19 =	sand.u32 $0x7F00, s23;
	s18 =	sand.u32 $0x70, s22;
	v2 =	vmul.f32 $1.595769170e+00, v6  }
0x38: {  	s18 =	sor.u32 s19, s18;
	v3 =	vmul.f32 v0, v0;
	v1 =	vmul.f32 $7.135481390e-02, v1  }
0x39: {  	s18 =	sor.u32 s21, s18  }
0x3a: {  	v3 =	vmul.f32 v3, v0;
	v2 =	vadd.f32 v1, v2;
	v1 =	vld [tilespmem:s18+$0x0];
	_ =	sdelay $0x1  }
0x3b: {  	s24 =	simm.s32 $0x30;
	s20 =	simm.s32 $0x60;
	v4 =	vmul.f32 $1.595769170e+00, v0;
	v3 =	vmul.f32 $7.135481390e-02, v3  }
0x3c: {  	s20 =	sand.u32 $0x7F00, s20;
	s19 =	sand.u32 $0x70, s24;
	v2 =	vmin.f32 v2, $3.000000000e+01  }
0x3d: {  	s19 =	sor.u32 s20, s19;
	v3 =	vadd.f32 v3, v4;
	v2 =	vmul.f32 $1.442695020e+00, v2  }
0x3e: {  	s25 =	simm.s32 $0x40;
	s22 =	simm.s32 $0x80;
	s20 =	sor.u32 s21, s19;
	v5 =	vmul.f32 v1, v1  }
0x3f: {  	s22 =	sand.u32 $0x7F00, s22;
	s19 =	sand.u32 $0x70, s25;
	v3 =	vmin.f32 v3, $3.000000000e+01;
	(erf) = vpow2.f32 v2;
	v2 =	vld [tilespmem:s20+$0x0]  }
0x40: {  	s19 =	sor.u32 s22, s19;
	v3 =	vmul.f32 $1.442695020e+00, v3;
	v4 =	vmul.f32 v5, v1  }
0x41: {  	s22 =	sor.u32 s21, s19;
	v5 =	vmul.f32 $1.595769170e+00, v1  }
0x42: {  	(erf) = vpow2.f32 v3;
	v3 =	vld [tilespmem:s22+$0x0];
	v4 =	vmul.f32 $7.135481390e-02, v4;
	_ =	sdelay $0x1  }
0x43: {  	v4 =	vadd.f32 v4, v5;
	v5 =	vmul.f32 v2, v2;
	_ =	sdelay $0x1  }
0x44: {  	s26 =	simm.s32 $0x50;
	s23 =	simm.s32 $0xA0;
	v5 =	vmul.f32 v5, v2  }
0x45: {  	s23 =	sand.u32 $0x7F00, s23;
	s19 =	sand.u32 $0x70, s26;
	v7 =	vmul.f32 $1.595769170e+00, v2;
	v10 =	vmul.f32 v3, v3;
	v4 =	vmin.f32 v4, $3.000000000e+01  }
0x46: {  	s19 =	sor.u32 s23, s19;
	v8 =	vpop (erf);
	v4 =	vmul.f32 $1.442695020e+00, v4;
	v5 =	vmul.f32 $7.135481390e-02, v5  }
0x47: {  	s25 =	sor.u32 s21, s19;
	v9 =	vadd.f32 $1.000000000e+00, v8  }
0x48: {  	(erf) = vpow2.f32 v4;
	v4 =	vld [tilespmem:s25+$0x0];
	v5 =	vadd.f32 v5, v7;
	v7 =	vmul.f32 v10, v3  }
0x49: {  	(erf) = vrcp.f32 v9  }
0x4a: {  	v10 =	vmul.f32 $1.595769170e+00, v3;
	v9 =	vmin.f32 v5, $3.000000000e+01;
	v7 =	vmul.f32 $7.135481390e-02, v7  }
0x4b: {  	v9 =	vmul.f32 $1.442695020e+00, v9  }
0x4c: {  	s31 =	simm.s32 $0x60;
	s24 =	simm.s32 $0xC0;
	v5 =	vpop (erf);
	v7 =	vadd.f32 v7, v10  }
0x4d: {  	s24 =	sand.u32 $0x7F00, s24;
	s23 =	sand.u32 $0x70, s31;
	v11 =	vadd.f32 $1.000000000e+00, v5;
	(erf) = vpow2.f32 v9;
	v9 =	vmul.f32 v4, v4  }
0x4e: {  	s26 =	sor.u32 s24, s23  }
0x4f: {  	s19 =	simm.s32 $0x1;
	s26 =	sor.u32 s21, s26;
	(erf) = vrcp.f32 v11;
	v10 =	vmul.f32 v9, v4;
	v9 =	vmin.f32 v7, $3.000000000e+01  }
0x50: {  	s19 =	simm.s32 @!p0 $0x0;
	v8 =	vmul.f32 v8, v6;
	v6 =	vld [tilespmem:s26+$0x0]  }
0x51: {  	s29 =	simm.s32 $0x70;
	s23 =	sshll.u32 s13, $0xE;
	s19 =	sshll.u32 s19, $0x7;
	v7 =	vpop (erf)  }
0x52: {  	s30 =	simm.s32 $0xE0;
	s28 =	sor.u32 s4, s23;
	s24 =	sor.u32 $0x8000, s19;
	v12 =	vmul.f32 $1.595769170e+00, v4;
	v11 =	vmul.f32 $1.442695020e+00, v9;
	v9 =	vpop (erf)  }
.LBB2_7:
0x53: {  	s31 =	sand.u32 $0x70, s29;
	s0 =	sand.u32 $0x7F00, s30;
	v10 =	vmul.f32 $7.135481390e-02, v10;
	v13 =	vadd.f32 $1.000000000e+00, v7;
	v15 =	vmul.f32 v9, v8;
	v14 =	vmovc v1;
	v1 =	vmovc v2;
	p1 =	sne.s32 s29, $0x3FF0  }
.Ltmp6:
0x54: {  	s29 =	sadd.s32 $0x10, s29;
	s0 =	sor.u32 s0, s31;
	(erf) = vpow2.f32 v11;
	(pc) =	sbr.rel @p1 .LBB2_7-.Ltmp6, $4  }
0x55: {  	v2 =	vmovc v3;
	s0 =	sor.u32 s21, s0;
	v16 =	vmul.f32 v6, v6;
	v11 =	vadd.f32 v10, v12;
	(erf) = vrcp.f32 v13;
	[tilespmem:s16+$0x8000] =	vst v15;
	s16 =	smov.u32 s17;
	s17 =	smov.u32 s18  }
0x56: {  	v3 =	vmovc v4;
	v8 =	vmov v5;
	v5 =	vmov v7;
	v4 =	vmov v6;
	s18 =	smov.u32 s20;
	s20 =	smov.u32 s22;
	s22 =	smov.u32 s25;
	v6 =	vld [tilespmem:s0+$0x0]  }
0x57: {  	v8 =	vmul.f32 v8, v0;
	s25 =	smov.u32 s26;
	s26 =	smov.u32 s0;
	v10 =	vmul.f32 v16, v4;
	v13 =	vmin.f32 v11, $3.000000000e+01;
	v7 =	vpop (erf)  }
0x58: {  	s30 =	sadd.s32 $0x20, s30;
	v0 =	vmov v14;
	v12 =	vmul.f32 $1.595769170e+00, v4;
	v11 =	vmul.f32 $1.442695020e+00, v13;
	v9 =	vpop (erf)  }
0x59: {  	_ =	sdelay $0x1  }
0x5a: {  	v13 =	vmul.f32 v6, v6;
	_ =	sdelay $0x1  }
0x5b: {  	v10 =	vmul.f32 $7.135481390e-02, v10;
	v13 =	vmul.f32 v13, v6;
	_ =	sdelay $0x1  }
0x5c: {  	v10 =	vadd.f32 v10, v12;
	v46 =	vmul.f32 $1.595769170e+00, v6;
	v13 =	vmul.f32 $7.135481390e-02, v13;
	_ =	sdelay $0x1  }
0x5d: {  	v14 =	vadd.f32 $1.000000000e+00, v7;
	v10 =	vmin.f32 v10, $3.000000000e+01;
	v12 =	vadd.f32 v13, v46  }
0x5e: {  	(erf) = vpow2.f32 v11;
	v47 =	vpop (erf);
	v10 =	vmul.f32 $1.442695020e+00, v10  }
0x5f: {  	(erf) = vrcp.f32 v14;
	v48 =	vadd.f32 $1.000000000e+00, v47;
	v12 =	vmin.f32 v12, $3.000000000e+01  }
0x60: {  	(erf) = vpow2.f32 v10;
	v49 =	vmul.f32 $1.442695020e+00, v12  }
0x61: {  	(erf) = vrcp.f32 v48  }
0x62: {  	(erf) = vpow2.f32 v49;
	_ =	sdelay $0x3  }
0x63: {  	v50 =	vpop (erf)  }
0x64: {  	v51 =	vpop (erf)  }
0x65: {  	v52 =	vpop (erf)  }
0x66: {  	v53 =	vpop (erf)  }
0x67: {  	v15 =	vadd.f32 $1.000000000e+00, v51;
	v16 =	vpop (erf)  }
0x68: {  	v17 =	vadd.f32 $1.000000000e+00, v53;
	v18 =	vpop (erf)  }
0x69: {  	(erf) = vrcp.f32 v15;
	v54 =	vadd.f32 $1.000000000e+00, v18  }
0x6a: {  	(erf) = vrcp.f32 v17  }
0x6b: {  	(erf) = vrcp.f32 v54;
	_ =	sdelay $0x2  }
0x6c: {  	v0 =	vmul.f32 v5, v0  }
0x6d: {  	v55 =	vmul.f32 v9, v8;
	v1 =	vmul.f32 v7, v1  }
0x6e: {  	v2 =	vmul.f32 v47, v2;
	v0 =	vmul.f32 v50, v0  }
0x6f: {  	[tilespmem:s16+$0x8000] =	vst v55;
	v3 =	vmul.f32 v51, v3;
	v1 =	vmul.f32 v52, v1  }
0x70: {  	[tilespmem:s17+$0x8000] =	vst v0;
	v4 =	vmul.f32 v53, v4;
	v56 =	vmul.f32 v16, v2;
	v57 =	vpop (erf)  }
0x71: {  	[tilespmem:s18+$0x8000] =	vst v1;
	v60 =	vmul.f32 v18, v6;
	v58 =	vmul.f32 v57, v3;
	v59 =	vpop (erf)  }
0x72: {  	[tilespmem:s20+$0x8000] =	vst v56;
	v61 =	vmul.f32 v59, v4;
	v62 =	vpop (erf)  }
0x73: {  	s0 =	sshrl.u32 s28, $0x3;
	[tilespmem:s22+$0x8000] =	vst v58;
	v63 =	vmul.f32 v62, v60  }
0x74: {  	s15 =	sadd.s32 $0x3, s15;
	s16 =	sadd.s32 s5, s0;
	[tilespmem:s25+$0x8000] =	vst v61  }
0x75: {  	s17 =	simm.s32 $0x10;
	s18 =	sadd.s32 $0x100, s24;
	s20 =	sadd.s32 $0x0, s16;
	[tilespmem:s26+$0x8000] =	vst v63  }
.LBB2_9:
0x76: {  	[hbm4b:s20+s3] =	stream.linear.scatter [tilespmem:s24], [sflag:s15], $0x80, $0x38;
	[tilespmem:$0x10000] =	vst v63  }
0x77: {  	s0 =	smov.u32 s17;
	s24 =	smov.u32 s18;
	p1 =	sne.s32 s17, $0x7F0  }
.Ltmp7:
0x78: {  	s17 =	sadd.s32 $0x10, s17;
	(pc) =	sbr.rel @p1 .LBB2_9-.Ltmp7, $2  }
0x79: {  	_ =	sdelay $0x2  }
0x7a: {  	s18 =	sadd.s32 $0x100, s18;
	s20 =	sadd.s32 s0, s16  }
0x7b: {  	p1 =	sgt.u32 s13, $0x3D  }
.Ltmp8:
0x7c: {  	_ = 	snop;
	(pc) =	sbr.rel @p1 .LBB2_14-.Ltmp8, $2  }
0x7d: {  	_ =	sdelay $0x2  }
0x7e: {  	[hbm4b:s20+s3] =	stream.linear.scatter [tilespmem:s24], [sflag:s15], $0x80, $0x38;
	[tilespmem:$0x10000] =	vst v63  }
0x7f: {  	s0 =	sadd.s32 s23, s8  }
0x80: {  	s0 =	sshrl.u32 s0, $0x3  }
0x81: {  	s15 =	sadd.s32 s2, s0  }
0x82: {  	s16 =	simm.s32 $0x10;
	s17 =	sadd.s32 $0x100, s19;
	s18 =	sadd.s32 $0x0, s15  }
.LBB2_12:
0x83: {  	[tilespmem:s19], [sflag:s14] =	stream.linear.gather [hbm4b:s18+s3], $0x80, $0x38;
	[tilespmem:$0x10000] =	vst v63  }
0x84: {  	s0 =	smov.u32 s16;
	s19 =	smov.u32 s17;
	p1 =	sne.s32 s16, $0x7F0  }
.Ltmp9:
0x85: {  	s16 =	sadd.s32 $0x10, s16;
	(pc) =	sbr.rel @p1 .LBB2_12-.Ltmp9, $2  }
0x86: {  	_ =	sdelay $0x2  }
0x87: {  	s17 =	sadd.s32 $0x100, s17;
	s18 =	sadd.s32 s0, s15  }
.Ltmp10:
0x88: {  	(pc) =	sbr.rel .LBB2_14-.Ltmp10, $2  }
0x89: {  	_ =	sdelay $0x2  }
0x8a: {  	[tilespmem:s19], [sflag:s14] =	stream.linear.gather [hbm4b:s18+s3], $0x80, $0x38;
	[tilespmem:$0x10000] =	vst v63  }
.LBB2_16:
0x8b: {  	_ =	sfence.sel $0x180000  }
0x8c: {  	[bflag:$0x0] =	sbarrier.arrive $0xFFFF  }
0x8d: {  	_ =	strace $0x9000004A  }
0x8e: {  	[bflag:$0x2] =	sbarrier.arrive $0xFFFF  }
0x8f: {  	p0 =	sne.s32 s1, $0x0;
	s0 =	rddreg [dreg:$0x2]  }
0x90: {  	s0 =	sadd.s32 @!p0 $0x100000, s0  }
0x91: {  	[sflag:s0] =	ssyncadd.tile.s32 @!p0 $0x1;
	_ =	shalt  }
.Lfunc_end2:
_tile_overlayer_lowered:
.L_overlay_start_2:
0x92: {  	(tag) =	ssettag $0x2  }
0x93: {  	s0 =	rddreg [dreg:$0x0];
	s2 =	stileid.u32  }
0x94: {  	s1 =	rddreg [dreg:$0x1];
	p0 =	sne.s32 s2, $0x0  }
0x95: {  	s3 =	rddreg [dreg:$0x2];
	[bflag:$0x3] =	sbarrier.arrive $0xFFFF;
	s2 =	simm.s32 @!p0 $0x1C05  }
0x96: {  	[timem:s3], [sflag:s2] =	dma.local @!p0 [hbm:s0], s1  }
0x97: {  	s0 =	simm.s32 @!p0 $0x5  }
0x98: {  	_ =	swait.ge @!p0 [sflag:s0], s1  }
0x99: {  	s1 =	ssub.s32 @!p0 $0x0, s1;
	[sflag:s0] =	ssyncset.done @!p0 $0x0  }
0x9a: {  	[sflag:s0] =	ssyncadd.s32 @!p0 s1  }
0x9b: {  	[bflag:$0x3] =	sbarrier.arrive $0xFFFF  }
0x9c: {  	_ =	shalt  }

// kernel: sparse-core-data-format-call.cloned.1.call-start
scs
called_computation_lowered:
.L_overlay_start_0:
0x0: {  	s2 =	sld [smem:$0x3FD9]  }
0x1: {  	s3 =	sld [smem:$0x3FFE];
	_ =	sdelay $0x1  }
0x2: {  	s1 =	srdreg.scid  }
0x3: {  	s0 =	sand.u32 $0x1, s1  }
0x4: {  	s19 =	sshll.u32 s0, $0xA;
	s2 =	sadd.s32 s3, s2  }
0x5: {  	s2 =	sadd.s32 s2, s19  }
0x6: {  	[smem:$0x3FC7] =	sst s2  }
0x7: {  	_ = 	snop  }
0x8: {  	s2 =	sld [smem:$0x3FC9]  }
0x9: {  	s20 =	sld [smem:$0x3FD0];
	(tm) =	ssettm $0x1  }
0xa: {  	s4 =	sld [smem:$0x3FFB];
	_ =	sdelay $0x3  }
0xb: {  	_ =	strace s4  }
0xc: {  	s4 =	sld [smem:$0x3FFC];
	_ =	sdelay $0x3  }
0xd: {  	_ =	strace s4  }
0xe: {  	s4 =	sld [smem:$0x3FFD];
	_ =	sdelay $0x3  }
0xf: {  	_ =	strace s4  }
0x10: {  	_ =	strace $0x8FFFFFFF  }
0x11: {  	s21 =	sld [smem:$0x3FDB];
	_ =	sdelay $0x1  }
0x12: {  	s5 =	simm.s32 $_scs_section_size  }
0x13: {  	s6 =	simm.s32 $_size__tile_overlayer_lowered;
	s7 =	simm.s32 $_tile_overlayer_lowered  }
0x14: {  	s24 =	simm.s32 $0x1BFF;
	s23 =	sshll.u32 s7, $0x1;
	s4 =	sadd.s32 s5, s21  }
0x15: {  	s8 =	simm.s32 $0x0;
	s22 =	sshll.u32 s6, $0x1;
	s6 =	sadd.s32 s23, s4  }
0x16: {  	[timem:s8], [sflag:s24] =	dma.local [hbm:s6], s22  }
0x17: {  	_ =	swait.ge [sflag:s24], s22  }
0x18: {  	s5 =	ssub.s32 $0x0, s22;
	[sflag:s24] =	ssyncset.done $0x0  }
0x19: {  	[sflag:s24] =	ssyncadd.s32 s5;
	_ =	sdelay $0x1  }
0x1a: {  	s25 =	simm.s32 $0x1B8B  }
0x1b: {  	_ =	swait.ge [sflag:s25], $0x1  }
0x1c: {  	[sflag:s25] =	ssyncset.done $0x0  }
0x1d: {  	s26 =	simm.s32 $0x1B8E;
	[sflag:s25] =	ssyncadd.s32 $0xFFFFFFFF  }
0x1e: {  	s27 =	simm.s32 $execute0_lowered;
	[smem:$0x3FD2] =	sst s26  }
0x1f: {  	s5 =	sshll.u32 s27, $0x1;
	_ =	strace $0x80000046;
	[dreg:$0x1] =	wrdreg $0xFFFFFFFF  }
0x20: {  	s28 =	simm.s32 $_size_execute0_lowered;
	s4 =	sadd.s32 s4, s5;
	[dreg:$0x0] =	wrdreg $0x0  }
0x21: {  	s5 =	sshll.u32 s28, $0x1;
	[dreg:$0x2] =	wrdreg s4  }
0x22: {  	[dreg:$0x3] =	wrdreg s5  }
0x23: {  	[dreg:$0x4] =	wrdreg $0xC0  }
0x24: {  	_ =	task [dreg:s8], $0x5FFFF  }
0x25: {  	[dreg:$0x1] =	wrdreg $0xFFFFFFFF  }
0x26: {  	[dreg:$0x0] =	wrdreg $0x60  }
0x27: {  	[dreg:$0x2] =	wrdreg s2  }
0x28: {  	[dreg:$0x3] =	wrdreg s20  }
0x29: {  	[dreg:$0x4] =	wrdreg $0x9  }
0x2a: {  	_ =	task.clear_ibuf [dreg:s8], $0x5FFFF;
	_ =	strace $0x90000046  }
0x2b: {  	s29 =	simm.s32 $0x9;
	_ =	strace $0x80000048  }
0x2c: {  	_ =	swait.ge [sflag:s29], $0x1  }
0x2d: {  	[sflag:s29] =	ssyncadd.s32 $0xFFFFFFFF  }
0x2e: {  	_ =	strace $0x90000048  }
0x2f: {  	_ =	sfence  }
0x30: {  	s30 =	sld [smem:$0x0];
	_ =	sdelay $0x2  }
0x31: {  	s31 =	sshll.u32 s1, $0xD;
	s1 =	sshrl.u32 s1, $0x2  }
0x32: {  	s3 =	sand.u32 $0x4000, s31;
	s1 =	sadd.s32 s1, s30  }
0x33: {  	s0 =	sor.u32 s3, s0;
	s1 =	sshll.u32 s1, $0x11  }
0x34: {  	s0 =	sor.u32 s1, s0  }
0x35: {  	s0 =	sadd.s32 $0x8F2B, s0  }
0x36: {  	[sflag:s0] =	ssyncadd.remote.s32 $0x1  }
0x37: {  	_ =	sfence.sel $0xFFFF  }
0x38: {  	[dreg:$0x0] =	wrdreg $0xFFFFFFFF;
	(pc) =	sbr.abs _section_cstart, $3  }
0x39: {  	[dreg:$0x1] =	wrdreg $0xFFFFFFFF  }
0x3a: {  	_ =	task.clear_ibuf [dreg:s8], $0x2FFFF;
	_ =	strace $0x9FFFFFFF  }
0x3b: {  	(tm) =	ssettm $0x7FFFFFFF  }
tec
execute0_lowered:
.L_overlay_start_1:
0x0: {  	(tag) =	ssettag $0x1  }
0x1: {  	s2 =	rddreg [dreg:$0x0]  }
0x2: {  	s3 =	rddreg [dreg:$0x1]  }
0x3: {  	s0 =	rddreg [dreg:$0x2];
	_ =	strace $0x80000047  }
0x4: {  	s4 =	srdreg.scid;
	s1 =	stileid.u32;
	s6 =	simm.s32 $0x2  }
.Ltmp0:
0x5: {  	s11 =	simm.s32 $0x0;
	p0 =	por $0x0, $0x0;
	(pc) =	sbr.rel .LBB1_1-.Ltmp0, $4  }
0x6: {  	s7 =	simm.s32 $0x1000;
	s12 =	simm.s32 $0x0;
	s5 =	sshll.u32 s4, $0x4  }
0x7: {  	s9 =	simm.s32 $0x0;
	s4 =	simm.s32 $0x1;
	s5 =	sand.u32 $0x10, s5  }
0x8: {  	s8 =	simm.s32 $0x0;
	[sflag:s4] =	ssyncpa.u1 $0x0;
	s5 =	sor.u32 s1, s5  }
0x9: {  	[sflag:s6] =	ssyncpa.u1 $0x0;
	s6 =	simm.s32 $0x800;
	s10 =	smov.u32 s5  }
.LBB1_7:
0xa: {  	s13 =	sadd.s32 $0x10, s9  }
0xb: {  	s11 =	sadd.s32 $0x20, s10;
	s15 =	smov.u32 s10;
	p2 =	sgt.s32 s13, $0x1F  }
0xc: {  	p1 =	slt.u32 s8, $0x2;
	s15 =	smov.u32 @p2 s11  }
0xd: {  	s8 =	sadd.s32 $0x1, s8;
	s13 =	simm.s32 @p2 $0x0;
	p2 =	sgt.s32 s15, $0x3FF  }
0xe: {  	s15 =	smov.u32 @p2 s5;
	p2 =	sne.s32 s8, $0x42  }
.Ltmp1:
0xf: {  	_ = 	snop;
	(pc) =	sbr.rel @!p2 .LBB1_8-.Ltmp1, $4  }
0x10: {  	s14 =	simm.s32 @!p1 $0x2  }
0x11: {  	s12 =	smov.u32 s10;
	_ =	swait.ge @!p1 [sflag:s14], $0x4000  }
0x12: {  	p0 =	por !p0, !p0;
	s11 =	smov.u32 s9;
	[sflag:s14] =	ssyncset.done @!p1 $0x0  }
0x13: {  	s9 =	smov.u32 s13;
	[sflag:s14] =	ssyncadd.s32 @!p1 $0xFFFFC000;
	s10 =	smov.u32 s15  }
.LBB1_1:
0x14: {  	p1 =	sgt.u32 s8, $0x3F  }
0x15: {  	s13 =	sxor.u32 @!p1 $0xFFFFFFFF, s8;
	s14 =	sshll.u32 @!p1 s10, $0xC  }
0x16: {  	s15 =	sshll.u32 @!p1 s9, $0x7;
	s13 =	sshll.u32 @!p1 s13, $0xE;
	s14 =	sadd.s32 @!p1 s2, s14  }
0x17: {  	s13 =	sand.u32 @!p1 $0x4000, s13;
	s14 =	sadd.s32 @!p1 s15, s14;
	s15 =	simm.s32 @!p1 $0x0  }
0x18: {  	[tilespmem:s13], [sflag:$0x1] =	stream.linear.gather @!p1 [hbm4b:s14+s15], $0x4000, $0x38;
	[tilespmem:$0x10000] =	vst v63  }
0x19: {  	p1 =	seq.s32 s8, $0x0  }
0x1a: {  	p2 =	seq.s32 @!p1 s8, $0x41  }
0x1b: {  	p1 =	por p1, p2  }
.Ltmp2:
0x1c: {  	_ = 	snop;
	(pc) =	sbr.rel @p1 .LBB1_7-.Ltmp2, $1  }
0x1d: {  	_ =	sdelay $0x3  }
0x1e: {  	s13 =	simm.s32 $0x1;
	_ =	swait.ge [sflag:s4], $0x4000;
	s16 =	sshll.u32 s8, $0xE  }
0x1f: {  	s13 =	simm.s32 @!p0 $0x0;
	[sflag:s4] =	ssyncset.done $0x0;
	s31 =	sand.u32 $0x4000, s16  }
0x20: {  	s16 =	simm.s32 $0x0;
	s14 =	sshll.u32 s13, $0xE;
	[sflag:s4] =	ssyncadd.s32 $0xFFFFC000  }
0x21: {  	s13 =	sor.u32 $0x8040, s14;
	s15 =	sor.u32 $0x40, s14;
	s14 =	sor.u32 $0x8000, s31  }
.LBB1_3:
0x22: {  	v0 =	vmov s15;
	_ =	sdelay $0x3  }
0x23: {  	s18 =	simm.s32 $0x0  }
0x24: {  	v6 =	vld.idx.msk [tilespmem:v0+s18+$0x30 ss:$0x1], $0xffff  }
0x25: {  	v7 =	vld.idx.msk [tilespmem:v0+s18+$0xFFFFFFC0 ss:$0x1], $0xffff  }
0x26: {  	v5 =	vld.idx.msk [tilespmem:v0+s18+$0xFFFFFFD0 ss:$0x1], $0xffff  }
0x27: {  	v4 =	vld.idx.msk [tilespmem:v0+s18+$0xFFFFFFE0 ss:$0x1], $0xffff  }
0x28: {  	v3 =	vld.idx.msk [tilespmem:v0+s18+$0xFFFFFFF0 ss:$0x1], $0xffff  }
0x29: {  	v1 =	vld.idx.msk [tilespmem:v0+s18+$0x0 ss:$0x1], $0xffff  }
0x2a: {  	v2 =	vld.idx.msk [tilespmem:v0+s18+$0x10 ss:$0x1], $0xffff;
	[tilespmem:s13+$0x30] =	vst v6  }
0x2b: {  	s17 =	simm.s32 $0x80;
	s19 =	simm.s32 $0x400;
	[tilespmem:s13+$0xFFFFFFC0] =	vst v7;
	v6 =	vld.idx.msk [tilespmem:v0+s18+$0x20 ss:$0x1], $0xffff;
	s18 =	smov.u32 s13  }
.LBB1_4:
0x2c: {  	p1 =	sne.s32 s19, $0xE00;
	v7 =	vld.idx.msk [tilespmem:v0+s17+$0x30 ss:$0x1], $0xffff;
	[tilespmem:s18+$0xFFFFFFD0] =	vst v5  }
0x2d: {  	v8 =	vld.idx.msk [tilespmem:v0+s17+$0xFFFFFFC0 ss:$0x1], $0xffff;
	[tilespmem:s18+$0xFFFFFFE0] =	vst v4  }
0x2e: {  	v5 =	vld.idx.msk [tilespmem:v0+s17+$0xFFFFFFD0 ss:$0x1], $0xffff;
	[tilespmem:s18+$0xFFFFFFF0] =	vst v3  }
.Ltmp3:
0x2f: {  	v4 =	vld.idx.msk [tilespmem:v0+s17+$0xFFFFFFE0 ss:$0x1], $0xffff;
	[tilespmem:s18+$0x0] =	vst v1;
	(pc) =	sbr.rel @p1 .LBB1_4-.Ltmp3, $4  }
0x30: {  	v3 =	vld.idx.msk [tilespmem:v0+s17+$0xFFFFFFF0 ss:$0x1], $0xffff;
	[tilespmem:s18+$0x10] =	vst v2  }
0x31: {  	v1 =	vld.idx.msk [tilespmem:v0+s17+$0x0 ss:$0x1], $0xffff;
	[tilespmem:s18+$0x20] =	vst v6;
	s18 =	sadd.s32 $0x800, s18  }
0x32: {  	v2 =	vld.idx.msk [tilespmem:v0+s17+$0x10 ss:$0x1], $0xffff;
	[tilespmem:s18+$0x30] =	vst v7  }
0x33: {  	[tilespmem:s18+$0xFFFFFFC0] =	vst v8;
	v6 =	vld.idx.msk [tilespmem:v0+s17+$0x20 ss:$0x1], $0xffff;
	s17 =	sshra.s32 s19, $0x2;
	s19 =	sadd.s32 $0x200, s19  }
0x34: {  	_ =	sdelay $0x2  }
0x35: {  	[tilespmem:s18+$0xFFFFFFD0] =	vst v5  }
0x36: {  	v56 =	vld.idx.msk [tilespmem:v0+s17+$0x30 ss:$0x1], $0xffff;
	[tilespmem:s18+$0xFFFFFFE0] =	vst v4  }
0x37: {  	v57 =	vld.idx.msk [tilespmem:v0+s17+$0xFFFFFFC0 ss:$0x1], $0xffff;
	[tilespmem:s18+$0xFFFFFFF0] =	vst v3  }
0x38: {  	v58 =	vld.idx.msk [tilespmem:v0+s17+$0xFFFFFFD0 ss:$0x1], $0xffff;
	[tilespmem:s18+$0x0] =	vst v1  }
0x39: {  	v59 =	vld.idx.msk [tilespmem:v0+s17+$0xFFFFFFE0 ss:$0x1], $0xffff;
	[tilespmem:s18+$0x10] =	vst v2  }
0x3a: {  	v60 =	vld.idx.msk [tilespmem:v0+s17+$0xFFFFFFF0 ss:$0x1], $0xffff;
	s31 =	sadd.s32 $0x800, s18;
	[tilespmem:s18+$0x20] =	vst v6  }
0x3b: {  	v61 =	vld.idx.msk [tilespmem:v0+s17+$0x0 ss:$0x1], $0xffff;
	[tilespmem:s31+$0x30] =	vst v56  }
0x3c: {  	v62 =	vld.idx.msk [tilespmem:v0+s17+$0x10 ss:$0x1], $0xffff;
	s16 =	sadd.s32 $0x1, s16;
	[tilespmem:s31+$0xFFFFFFC0] =	vst v57  }
0x3d: {  	v63 =	vld.idx.msk [tilespmem:v0+s17+$0x20 ss:$0x1], $0xffff;
	p1 =	sne.s32 s16, $0x10;
	[tilespmem:s31+$0xFFFFFFD0] =	vst v58  }
.Ltmp4:
0x3e: {  	[tilespmem:s31+$0xFFFFFFE0] =	vst v59;
	(pc) =	sbr.rel @p1 .LBB1_3-.Ltmp4, $4  }
0x3f: {  	[tilespmem:s31+$0xFFFFFFF0] =	vst v60  }
0x40: {  	[tilespmem:s31+$0x0] =	vst v61  }
0x41: {  	[tilespmem:s31+$0x10] =	vst v62  }
0x42: {  	s13 =	sadd.s32 $0x80, s13;
	s15 =	sadd.s32 $0x400, s15;
	[tilespmem:s31+$0x20] =	vst v63  }
.Ltmp5:
0x43: {  	(pc) =	sbr.rel .LBB1_7-.Ltmp5, $4  }
0x44: {  	s12 =	sshll.u32 s12, $0xC;
	s11 =	sshll.u32 s11, $0x4  }
0x45: {  	s11 =	sand.u32 $0x1F0, s11;
	s12 =	sadd.s32 s3, s12  }
0x46: {  	s11 =	sadd.s32 s11, s12  }
0x47: {  	[hbm4b:s11+s6] =	stream.strided.scatter [tilespmem:s14], [sflag:$0x2], $0x4000, s7, s6, $0x38;
	[tilespmem:$0x10000] =	vst v63  }
.LBB1_8:
0x48: {  	_ =	sfence.sel $0x180000  }
0x49: {  	s2 =	simm.s32 $0x1;
	[bflag:$0x0] =	sbarrier.arrive $0xFFFF  }
0x4a: {  	s31 =	simm.s32 $0x2;
	[sflag:s2] =	ssyncpa.u1 $0x1  }
0x4b: {  	[sflag:s31] =	ssyncpa.u1 $0x1  }
0x4c: {  	p0 =	sne.s32 s1, $0x0;
	_ =	strace $0x90000047  }
0x4d: {  	s0 =	sadd.s32 @!p0 $0x100000, s0;
	[bflag:$0x2] =	sbarrier.arrive $0xFFFF  }
0x4e: {  	[sflag:s0] =	ssyncadd.tile.s32 @!p0 $0x1;
	_ =	shalt  }
.Lfunc_end1:
_tile_overlayer_lowered:
.L_overlay_start_2:
0x4f: {  	(tag) =	ssettag $0x2  }
0x50: {  	s0 =	rddreg [dreg:$0x0];
	s2 =	stileid.u32  }
0x51: {  	s1 =	rddreg [dreg:$0x1];
	p0 =	sne.s32 s2, $0x0  }
0x52: {  	s3 =	rddreg [dreg:$0x2];
	[bflag:$0x3] =	sbarrier.arrive $0xFFFF;
	s2 =	simm.s32 @!p0 $0x1C01  }
0x53: {  	[timem:s3], [sflag:s2] =	dma.local @!p0 [hbm:s0], s1  }
0x54: {  	s0 =	simm.s32 @!p0 $0x1  }
0x55: {  	_ =	swait.ge @!p0 [sflag:s0], s1  }
0x56: {  	s1 =	ssub.s32 @!p0 $0x0, s1;
	[sflag:s0] =	ssyncset.done @!p0 $0x0  }
0x57: {  	[sflag:s0] =	ssyncadd.s32 @!p0 s1  }
0x58: {  	[bflag:$0x3] =	sbarrier.arrive $0xFFFF  }
0x59: {  	_ =	shalt  }

</sc_bundles>
